<compile_context>
chip_gen: v7x
topology: tpu7x:2x2x1
jax: 0.10.2.dev20260603
libtpu: 0.0.44.dev20260713+nightly
codegen_flags: <defaults>
</compile_context>

<pallas_src>
import functools

import jax
import jax.numpy as jnp
from jax import lax
from jax.experimental import pallas as pl
from jax.experimental.pallas import tpu as pltpu
from jax.experimental.pallas import tpu_sc as plsc

NUM_CORES = 2
NUM_SUBCORES = 16
NUM_WORKERS = NUM_CORES * NUM_SUBCORES

CHUNK = 32
NSLOT = 2


def _make_lookup(n_rows: int, d: int):
    rows_per_w = n_rows // NUM_WORKERS
    nchunk = rows_per_w // CHUNK
    mesh = plsc.VectorSubcoreMesh(
        core_axis_name="c", subcore_axis_name="s",
        num_cores=NUM_CORES, num_subcores=NUM_SUBCORES,
    )

    @functools.partial(
        pl.kernel,
        out_type=jax.ShapeDtypeStruct((n_rows, d), jnp.float32),
        mesh=mesh,
        scratch_types=(
            [pltpu.VMEM((nchunk, CHUNK), jnp.int32)]
            + [pltpu.VMEM((CHUNK, d), jnp.float32) for _ in range(NSLOT)]
            + [pltpu.SemaphoreType.DMA for _ in range(2 * NSLOT)]
        ),
    )
    def run(idx_hbm, table_hbm, out_hbm, idx_v, *rest):
        bufs = rest[:NSLOT]
        gsems = rest[NSLOT:2 * NSLOT]
        ssems = rest[2 * NSLOT:]
        wid = lax.axis_index("s") * NUM_CORES + lax.axis_index("c")
        base = wid * rows_per_w
        pltpu.sync_copy(idx_hbm.at[wid], idx_v)

        def gather(g, j):
            return pltpu.make_async_copy(
                table_hbm.at[idx_v.at[g]], bufs[j], gsems[j])

        def store(g, j):
            return pltpu.make_async_copy(
                bufs[j], out_hbm.at[pl.ds(base + g * CHUNK, CHUNK)], ssems[j])

        for j in range(NSLOT):
            gather(j, j).start()

        def body(p, _):
            g0 = p * NSLOT
            for j in range(NSLOT):
                g = g0 + j
                gather(g, j).wait()
                store(g, j).start()

                @pl.when(g + NSLOT < nchunk)
                def _():
                    store(g, j).wait()
                    gather(g + NSLOT, j).start()
            return 0

        lax.fori_loop(0, nchunk // NSLOT, body, 0)

        for j in range(NSLOT):
            store(nchunk - NSLOT + j, j).wait()

    return run


def kernel(positions, pos_emb_weight):
    b, s = positions.shape
    n_rows = b * s
    d = pos_emb_weight.shape[1]
    rows_per_w = n_rows // NUM_WORKERS
    idx = positions.reshape(NUM_WORKERS, rows_per_w // CHUNK, CHUNK)
    out = _make_lookup(n_rows, d)(idx.astype(jnp.int32), pos_emb_weight)
    return out.reshape(b, s, d)

# --- scband reference (transcript-rebuilt; emitter-appended) ---
"""Pipeline reference for scband-positional-encodings-36713380446704 (READ-ONLY COPY).

The authoritative reference and input builder live on the scoring server;
editing this copy changes nothing except your own understanding.
"""

import jax, jax.numpy as jnp
import numpy as np

MAX_SEQ_LEN = 8192
HIDDEN_SIZE = 1024
BATCH = 4
SEQ_LEN = 8192


def setup_inputs(seed: int = 0) -> dict:
    key = jax.random.key(seed)
    k_pos, k_emb = jax.random.split(key)
    positions = jax.random.randint(k_pos, (BATCH, SEQ_LEN), 0, MAX_SEQ_LEN, dtype=jnp.int64 if jax.config.jax_enable_x64 else jnp.int32)
    # nn.Embedding default init: N(0, 1)
    pos_emb_weight = jax.random.normal(k_emb, (MAX_SEQ_LEN, HIDDEN_SIZE), dtype=jnp.float32)
    return {"positions": positions, "pos_emb_weight": pos_emb_weight}


def reference(positions, pos_emb_weight):
    # Equivalent of nn.Embedding lookup: gather rows of the table
    return jnp.take(pos_emb_weight, positions, axis=0)

if __name__ == "__main__":
    import jax
    _d = setup_inputs()
    print(jax.jit(kernel)(*tuple(_d.values())))

</pallas_src>

<mosaic_0001>
#map = affine_map<(d0, d1) -> (0, 0, 0)>
#map1 = affine_map<(d0, d1) -> (0, 0)>
module attributes {stable_mosaic.version = 14 : i64} {
  func.func @run(%arg0: i32, %arg1: i32, %arg2: memref<32x32x32xi32, #tpu.memory_space<hbm>>, %arg3: memref<8192x1024xf32, #tpu.memory_space<hbm>>, %arg4: memref<32768x1024xf32, #tpu.memory_space<hbm>>, %arg5: memref<32x32xi32, #tpu.memory_space<vmem>>, %arg6: memref<32x1024xf32, #tpu.memory_space<vmem>>, %arg7: memref<32x1024xf32, #tpu.memory_space<vmem>>, %arg8: memref<!tpu.dma_semaphore, #tpu.memory_space<semaphore_mem>>, %arg9: memref<!tpu.dma_semaphore, #tpu.memory_space<semaphore_mem>>, %arg10: memref<!tpu.dma_semaphore, #tpu.memory_space<semaphore_mem>>, %arg11: memref<!tpu.dma_semaphore, #tpu.memory_space<semaphore_mem>>) attributes {dimension_semantics = [#tpu.dimension_semantics<core_parallel>, #tpu.dimension_semantics<subcore_parallel>], iteration_bounds = array<i64: 2, 16>, scalar_prefetch = 0 : i64, scratch_operands = 7 : i64, tpu.core_type = #tpu.core_type<sc_vector_subcore>, window_params = [{transform_indices = #map}, {transform_indices = #map1}, {transform_indices = #map1}]} {
    %mul3A = arith.constant 2 : i32
    %mul3A_0 = arith.muli %arg1, %mul3A : i32
    %add3A = arith.addi %mul3A_0, %arg0 : i32
    %mul3A_1 = arith.constant 1024 : i32
    %mul3A_2 = arith.muli %add3A, %mul3A_1 : i32
    "tpu.region"() ({
      %run_scoped3A = tpu.sem_alloc : memref<!tpu.dma_semaphore, #tpu.memory_space<semaphore_mem>>
      %dma_start3A_33 = arith.constant 0 : i32
      %dma_start3A_34 = arith.constant 0 : i32
      %dma_start3A_35 = tpu.memref_slice %arg2[%add3A, %dma_start3A_33, %dma_start3A_34] : memref<32x32x32xi32, #tpu.memory_space<hbm>> -> memref<1x32x32xi32, #tpu.memory_space<hbm>>
      %dma_start3A_36 = tpu.memref_squeeze %dma_start3A_35 : memref<1x32x32xi32, #tpu.memory_space<hbm>> -> memref<32x32xi32, #tpu.memory_space<hbm>>
      %dma_start3A_37 = arith.constant 0 : i32
      %dma_start3A_38 = arith.constant 0 : i32
      %dma_start3A_39 = tpu.memref_slice %arg2[%add3A, %dma_start3A_37, %dma_start3A_38] : memref<32x32x32xi32, #tpu.memory_space<hbm>> -> memref<1x32x32xi32, #tpu.memory_space<hbm>>
      %dma_start3A_40 = tpu.memref_squeeze %dma_start3A_39 : memref<1x32x32xi32, #tpu.memory_space<hbm>> -> memref<32x32xi32, #tpu.memory_space<hbm>>
      tpu.enqueue_dma source(%dma_start3A_40 : memref<32x32xi32, #tpu.memory_space<hbm>>) target(%arg5 : memref<32x32xi32, #tpu.memory_space<vmem>>) target_semaphore(%run_scoped3A : memref<!tpu.dma_semaphore, #tpu.memory_space<semaphore_mem>>)
      %dma_wait3A_41 = arith.constant 0 : i32
      %dma_wait3A_42 = arith.constant 0 : i32
      %dma_wait3A_43 = tpu.memref_slice %arg2[%add3A, %dma_wait3A_41, %dma_wait3A_42] : memref<32x32x32xi32, #tpu.memory_space<hbm>> -> memref<1x32x32xi32, #tpu.memory_space<hbm>>
      %dma_wait3A_44 = tpu.memref_squeeze %dma_wait3A_43 : memref<1x32x32xi32, #tpu.memory_space<hbm>> -> memref<32x32xi32, #tpu.memory_space<hbm>>
      %dma_wait3A_45 = arith.constant 0 : i32
      %dma_wait3A_46 = arith.constant 0 : i32
      %dma_wait3A_47 = tpu.memref_slice %arg2[%add3A, %dma_wait3A_45, %dma_wait3A_46] : memref<32x32x32xi32, #tpu.memory_space<hbm>> -> memref<1x32x32xi32, #tpu.memory_space<hbm>>
      %dma_wait3A_48 = tpu.memref_squeeze %dma_wait3A_47 : memref<1x32x32xi32, #tpu.memory_space<hbm>> -> memref<32x32xi32, #tpu.memory_space<hbm>>
      tpu.wait_dma2 semaphore(%run_scoped3A : memref<!tpu.dma_semaphore, #tpu.memory_space<semaphore_mem>>) src(%dma_wait3A_48 : memref<32x32xi32, #tpu.memory_space<hbm>>) dst(%arg5 : memref<32x32xi32, #tpu.memory_space<vmem>>)
      tpu.yield
    }) : () -> ()
    %dma_start3A = arith.constant 0 : i32
    %dma_start3A_3 = arith.constant 0 : i32
    %dma_start3A_4 = tpu.memref_slice %arg5[%dma_start3A, %dma_start3A_3] : memref<32x32xi32, #tpu.memory_space<vmem>> -> memref<1x32xi32, #tpu.memory_space<vmem>>
    %dma_start3A_5 = tpu.memref_squeeze %dma_start3A_4 : memref<1x32xi32, #tpu.memory_space<vmem>> -> memref<32xi32, #tpu.memory_space<vmem>>
    %dma_start3A_6 = arith.constant 0 : i32
    %dma_start3A_7 = arith.constant 0 : i32
    %dma_start3A_8 = tpu.memref_slice %arg3[%dma_start3A_6, %dma_start3A_7] : memref<8192x1024xf32, #tpu.memory_space<hbm>> -> memref<8192x1024xf32, #tpu.memory_space<hbm>>
    tpu.enqueue_indirect_dma source(%dma_start3A_8 : memref<8192x1024xf32, #tpu.memory_space<hbm>>) target(%arg6 : memref<32x1024xf32, #tpu.memory_space<vmem>>) offsets(%dma_start3A_5 : memref<32xi32, #tpu.memory_space<vmem>>) semaphore(%arg8 : memref<!tpu.dma_semaphore, #tpu.memory_space<semaphore_mem>>)
    %dma_start3A_9 = arith.constant 1 : i32
    %dma_start3A_10 = arith.constant 0 : i32
    %dma_start3A_11 = tpu.memref_slice %arg5[%dma_start3A_9, %dma_start3A_10] : memref<32x32xi32, #tpu.memory_space<vmem>> -> memref<1x32xi32, #tpu.memory_space<vmem>>
    %dma_start3A_12 = tpu.memref_squeeze %dma_start3A_11 : memref<1x32xi32, #tpu.memory_space<vmem>> -> memref<32xi32, #tpu.memory_space<vmem>>
    %dma_start3A_13 = arith.constant 0 : i32
    %dma_start3A_14 = arith.constant 0 : i32
    %dma_start3A_15 = tpu.memref_slice %arg3[%dma_start3A_13, %dma_start3A_14] : memref<8192x1024xf32, #tpu.memory_space<hbm>> -> memref<8192x1024xf32, #tpu.memory_space<hbm>>
    tpu.enqueue_indirect_dma source(%dma_start3A_15 : memref<8192x1024xf32, #tpu.memory_space<hbm>>) target(%arg7 : memref<32x1024xf32, #tpu.memory_space<vmem>>) offsets(%dma_start3A_12 : memref<32xi32, #tpu.memory_space<vmem>>) semaphore(%arg9 : memref<!tpu.dma_semaphore, #tpu.memory_space<semaphore_mem>>)
    %scan3A = arith.constant 0 : i32
    %scan3A_16 = arith.constant 0 : i32
    %scan3A_17 = arith.constant 16 : i32
    %scan3A_18 = arith.addi %scan3A_16, %scan3A_17 : i32
    %scan3A_19 = arith.constant 1 : i32
    %scan3A_20 = scf.for %scan3A_33 = %scan3A_16 to %scan3A_18 step %scan3A_19 iter_args(%scan3A_34 = %scan3A) -> (i32)  : i32 {
      %mul3A_35 = arith.constant 2 : i32
      %mul3A_36 = arith.muli %scan3A_33, %mul3A_35 : i32
      %add3A_37 = arith.constant 0 : i32
      %add3A_38 = arith.addi %mul3A_36, %add3A_37 : i32
      %dma_wait3A_39 = arith.constant 0 : i32
      %dma_wait3A_40 = tpu.memref_slice %arg5[%add3A_38, %dma_wait3A_39] : memref<32x32xi32, #tpu.memory_space<vmem>> -> memref<1x32xi32, #tpu.memory_space<vmem>>
      %dma_wait3A_41 = tpu.memref_squeeze %dma_wait3A_40 : memref<1x32xi32, #tpu.memory_space<vmem>> -> memref<32xi32, #tpu.memory_space<vmem>>
      %dma_wait3A_42 = arith.constant 0 : i32
      %dma_wait3A_43 = arith.constant 0 : i32
      %dma_wait3A_44 = tpu.memref_slice %arg3[%dma_wait3A_42, %dma_wait3A_43] : memref<8192x1024xf32, #tpu.memory_space<hbm>> -> memref<8192x1024xf32, #tpu.memory_space<hbm>>
      tpu.wait_indirect_dma semaphore(%arg8 : memref<!tpu.dma_semaphore, #tpu.memory_space<semaphore_mem>>) src(%dma_wait3A_44 : memref<8192x1024xf32, #tpu.memory_space<hbm>>) dst(%arg6 : memref<32x1024xf32, #tpu.memory_space<vmem>>)
      %mul3A_45 = arith.constant 32 : i32
      %mul3A_46 = arith.muli %add3A_38, %mul3A_45 : i32
      %add3A_47 = arith.addi %mul3A_2, %mul3A_46 : i32
      %dma_start3A_48 = arith.constant 0 : i32
      %dma_start3A_49 = tpu.memref_slice %arg4[%add3A_47, %dma_start3A_48] : memref<32768x1024xf32, #tpu.memory_space<hbm>> -> memref<32x1024xf32, #tpu.memory_space<hbm>>
      %dma_start3A_50 = arith.constant 0 : i32
      %dma_start3A_51 = tpu.memref_slice %arg4[%add3A_47, %dma_start3A_50] : memref<32768x1024xf32, #tpu.memory_space<hbm>> -> memref<32x1024xf32, #tpu.memory_space<hbm>>
      tpu.enqueue_dma source(%arg6 : memref<32x1024xf32, #tpu.memory_space<vmem>>) target(%dma_start3A_51 : memref<32x1024xf32, #tpu.memory_space<hbm>>) target_semaphore(%arg10 : memref<!tpu.dma_semaphore, #tpu.memory_space<semaphore_mem>>)
      %add3A_52 = arith.constant 2 : i32
      %add3A_53 = arith.addi %add3A_38, %add3A_52 : i32
      %lt3A = arith.constant 32 : i32
      %lt3A_54 = arith.cmpi slt, %add3A_53, %lt3A : i32
      %convert_element_type3A = arith.extui %lt3A_54 : i1 to i32
      %cond3A = arith.constant 0 : i32
      %cond3A_55 = arith.cmpi ne, %convert_element_type3A, %cond3A : i32
      scf.if %cond3A_55 {
        %mul3A_79 = arith.constant 32 : i32
        %mul3A_80 = arith.muli %add3A_38, %mul3A_79 : i32
        %add3A_81 = arith.addi %mul3A_2, %mul3A_80 : i32
        %dma_wait3A_82 = arith.constant 0 : i32
        %dma_wait3A_83 = tpu.memref_slice %arg4[%add3A_81, %dma_wait3A_82] : memref<32768x1024xf32, #tpu.memory_space<hbm>> -> memref<32x1024xf32, #tpu.memory_space<hbm>>
        %dma_wait3A_84 = arith.constant 0 : i32
        %dma_wait3A_85 = tpu.memref_slice %arg4[%add3A_81, %dma_wait3A_84] : memref<32768x1024xf32, #tpu.memory_space<hbm>> -> memref<32x1024xf32, #tpu.memory_space<hbm>>
        tpu.wait_dma2 semaphore(%arg10 : memref<!tpu.dma_semaphore, #tpu.memory_space<semaphore_mem>>) src(%arg6 : memref<32x1024xf32, #tpu.memory_space<vmem>>) dst(%dma_wait3A_85 : memref<32x1024xf32, #tpu.memory_space<hbm>>)
        %add3A_86 = arith.constant 2 : i32
        %add3A_87 = arith.addi %add3A_38, %add3A_86 : i32
        %dma_start3A_88 = arith.constant 0 : i32
        %dma_start3A_89 = tpu.memref_slice %arg5[%add3A_87, %dma_start3A_88] : memref<32x32xi32, #tpu.memory_space<vmem>> -> memref<1x32xi32, #tpu.memory_space<vmem>>
        %dma_start3A_90 = tpu.memref_squeeze %dma_start3A_89 : memref<1x32xi32, #tpu.memory_space<vmem>> -> memref<32xi32, #tpu.memory_space<vmem>>
        %dma_start3A_91 = arith.constant 0 : i32
        %dma_start3A_92 = arith.constant 0 : i32
        %dma_start3A_93 = tpu.memref_slice %arg3[%dma_start3A_91, %dma_start3A_92] : memref<8192x1024xf32, #tpu.memory_space<hbm>> -> memref<8192x1024xf32, #tpu.memory_space<hbm>>
        tpu.enqueue_indirect_dma source(%dma_start3A_93 : memref<8192x1024xf32, #tpu.memory_space<hbm>>) target(%arg6 : memref<32x1024xf32, #tpu.memory_space<vmem>>) offsets(%dma_start3A_90 : memref<32xi32, #tpu.memory_space<vmem>>) semaphore(%arg8 : memref<!tpu.dma_semaphore, #tpu.memory_space<semaphore_mem>>)
      } else {
      }
      %add3A_56 = arith.constant 1 : i32
      %add3A_57 = arith.addi %mul3A_36, %add3A_56 : i32
      %dma_wait3A_58 = arith.constant 0 : i32
      %dma_wait3A_59 = tpu.memref_slice %arg5[%add3A_57, %dma_wait3A_58] : memref<32x32xi32, #tpu.memory_space<vmem>> -> memref<1x32xi32, #tpu.memory_space<vmem>>
      %dma_wait3A_60 = tpu.memref_squeeze %dma_wait3A_59 : memref<1x32xi32, #tpu.memory_space<vmem>> -> memref<32xi32, #tpu.memory_space<vmem>>
      %dma_wait3A_61 = arith.constant 0 : i32
      %dma_wait3A_62 = arith.constant 0 : i32
      %dma_wait3A_63 = tpu.memref_slice %arg3[%dma_wait3A_61, %dma_wait3A_62] : memref<8192x1024xf32, #tpu.memory_space<hbm>> -> memref<8192x1024xf32, #tpu.memory_space<hbm>>
      tpu.wait_indirect_dma semaphore(%arg9 : memref<!tpu.dma_semaphore, #tpu.memory_space<semaphore_mem>>) src(%dma_wait3A_63 : memref<8192x1024xf32, #tpu.memory_space<hbm>>) dst(%arg7 : memref<32x1024xf32, #tpu.memory_space<vmem>>)
      %mul3A_64 = arith.constant 32 : i32
      %mul3A_65 = arith.muli %add3A_57, %mul3A_64 : i32
      %add3A_66 = arith.addi %mul3A_2, %mul3A_65 : i32
      %dma_start3A_67 = arith.constant 0 : i32
      %dma_start3A_68 = tpu.memref_slice %arg4[%add3A_66, %dma_start3A_67] : memref<32768x1024xf32, #tpu.memory_space<hbm>> -> memref<32x1024xf32, #tpu.memory_space<hbm>>
      %dma_start3A_69 = arith.constant 0 : i32
      %dma_start3A_70 = tpu.memref_slice %arg4[%add3A_66, %dma_start3A_69] : memref<32768x1024xf32, #tpu.memory_space<hbm>> -> memref<32x1024xf32, #tpu.memory_space<hbm>>
      tpu.enqueue_dma source(%arg7 : memref<32x1024xf32, #tpu.memory_space<vmem>>) target(%dma_start3A_70 : memref<32x1024xf32, #tpu.memory_space<hbm>>) target_semaphore(%arg11 : memref<!tpu.dma_semaphore, #tpu.memory_space<semaphore_mem>>)
      %add3A_71 = arith.constant 2 : i32
      %add3A_72 = arith.addi %add3A_57, %add3A_71 : i32
      %lt3A_73 = arith.constant 32 : i32
      %lt3A_74 = arith.cmpi slt, %add3A_72, %lt3A_73 : i32
      %convert_element_type3A_75 = arith.extui %lt3A_74 : i1 to i32
      %cond3A_76 = arith.constant 0 : i32
      %cond3A_77 = arith.cmpi ne, %convert_element_type3A_75, %cond3A_76 : i32
      scf.if %cond3A_77 {
        %mul3A_79 = arith.constant 32 : i32
        %mul3A_80 = arith.muli %add3A_57, %mul3A_79 : i32
        %add3A_81 = arith.addi %mul3A_2, %mul3A_80 : i32
        %dma_wait3A_82 = arith.constant 0 : i32
        %dma_wait3A_83 = tpu.memref_slice %arg4[%add3A_81, %dma_wait3A_82] : memref<32768x1024xf32, #tpu.memory_space<hbm>> -> memref<32x1024xf32, #tpu.memory_space<hbm>>
        %dma_wait3A_84 = arith.constant 0 : i32
        %dma_wait3A_85 = tpu.memref_slice %arg4[%add3A_81, %dma_wait3A_84] : memref<32768x1024xf32, #tpu.memory_space<hbm>> -> memref<32x1024xf32, #tpu.memory_space<hbm>>
        tpu.wait_dma2 semaphore(%arg11 : memref<!tpu.dma_semaphore, #tpu.memory_space<semaphore_mem>>) src(%arg7 : memref<32x1024xf32, #tpu.memory_space<vmem>>) dst(%dma_wait3A_85 : memref<32x1024xf32, #tpu.memory_space<hbm>>)
        %add3A_86 = arith.constant 2 : i32
        %add3A_87 = arith.addi %add3A_57, %add3A_86 : i32
        %dma_start3A_88 = arith.constant 0 : i32
        %dma_start3A_89 = tpu.memref_slice %arg5[%add3A_87, %dma_start3A_88] : memref<32x32xi32, #tpu.memory_space<vmem>> -> memref<1x32xi32, #tpu.memory_space<vmem>>
        %dma_start3A_90 = tpu.memref_squeeze %dma_start3A_89 : memref<1x32xi32, #tpu.memory_space<vmem>> -> memref<32xi32, #tpu.memory_space<vmem>>
        %dma_start3A_91 = arith.constant 0 : i32
        %dma_start3A_92 = arith.constant 0 : i32
        %dma_start3A_93 = tpu.memref_slice %arg3[%dma_start3A_91, %dma_start3A_92] : memref<8192x1024xf32, #tpu.memory_space<hbm>> -> memref<8192x1024xf32, #tpu.memory_space<hbm>>
        tpu.enqueue_indirect_dma source(%dma_start3A_93 : memref<8192x1024xf32, #tpu.memory_space<hbm>>) target(%arg7 : memref<32x1024xf32, #tpu.memory_space<vmem>>) offsets(%dma_start3A_90 : memref<32xi32, #tpu.memory_space<vmem>>) semaphore(%arg9 : memref<!tpu.dma_semaphore, #tpu.memory_space<semaphore_mem>>)
      } else {
      }
      %scan3A_78 = arith.constant 0 : i32
      scf.yield %scan3A_78 : i32
    }
    %scan3A_21 = arith.constant 16 : i32
    %add3A_22 = arith.constant 960 : i32
    %add3A_23 = arith.addi %mul3A_2, %add3A_22 : i32
    %dma_wait3A = arith.constant 0 : i32
    %dma_wait3A_24 = tpu.memref_slice %arg4[%add3A_23, %dma_wait3A] : memref<32768x1024xf32, #tpu.memory_space<hbm>> -> memref<32x1024xf32, #tpu.memory_space<hbm>>
    %dma_wait3A_25 = arith.constant 0 : i32
    %dma_wait3A_26 = tpu.memref_slice %arg4[%add3A_23, %dma_wait3A_25] : memref<32768x1024xf32, #tpu.memory_space<hbm>> -> memref<32x1024xf32, #tpu.memory_space<hbm>>
    tpu.wait_dma2 semaphore(%arg10 : memref<!tpu.dma_semaphore, #tpu.memory_space<semaphore_mem>>) src(%arg6 : memref<32x1024xf32, #tpu.memory_space<vmem>>) dst(%dma_wait3A_26 : memref<32x1024xf32, #tpu.memory_space<hbm>>)
    %add3A_27 = arith.constant 992 : i32
    %add3A_28 = arith.addi %mul3A_2, %add3A_27 : i32
    %dma_wait3A_29 = arith.constant 0 : i32
    %dma_wait3A_30 = tpu.memref_slice %arg4[%add3A_28, %dma_wait3A_29] : memref<32768x1024xf32, #tpu.memory_space<hbm>> -> memref<32x1024xf32, #tpu.memory_space<hbm>>
    %dma_wait3A_31 = arith.constant 0 : i32
    %dma_wait3A_32 = tpu.memref_slice %arg4[%add3A_28, %dma_wait3A_31] : memref<32768x1024xf32, #tpu.memory_space<hbm>> -> memref<32x1024xf32, #tpu.memory_space<hbm>>
    tpu.wait_dma2 semaphore(%arg11 : memref<!tpu.dma_semaphore, #tpu.memory_space<semaphore_mem>>) src(%arg7 : memref<32x1024xf32, #tpu.memory_space<vmem>>) dst(%dma_wait3A_32 : memref<32x1024xf32, #tpu.memory_space<hbm>>)
    return
  }
}

</mosaic_0001>

<sc_bundles>
// kernel: kernel.3.cloned.1.call-start
scs
__scs_entry_jumppad:
0x0: {  	(pc) =	sbr.rel $0x88, $3  }
0x1: {  	(tag) =	ssettag $0x0;
	lr =	simm.s32 $0x1  }
0x2: {  	[smem:$0x3F9F] =	sst lr;
	_ =	strace $0xD0000000  }
0x3: {  	_ = 	snop  }
0x4: {  	_ = 	snop  }
0x5: {  	_ = 	snop  }
0x6: {  	_ = 	snop  }
0x7: {  	_ = 	snop  }
__scs_overlays_trampoline_lowered:
0x8: {  	[smem:$0x3FAE] =	sst s0  }
0x9: {  	[smem:$0x3FAF] =	sst s1  }
0xa: {  	[smem:$0x3FB0] =	sst s2  }
0xb: {  	[smem:$0x3FB1] =	sst s3  }
0xc: {  	[smem:$0x3FB2] =	sst s4  }
0xd: {  	[smem:$0x3FB3] =	sst s5  }
0xe: {  	[smem:$0x3FB4] =	sst s6  }
0xf: {  	[smem:$0x3FB5] =	sst s7  }
0x10: {  	[smem:$0x3FB6] =	sst s8  }
0x11: {  	[smem:$0x3FB7] =	sst s9;
	s0 =	simm.s32 @!p0 $0x0  }
0x12: {  	s1 =	sld [smem:$0x3F9D];
	s0 =	simm.s32 @p0 $0x1  }
0x13: {  	[smem:$0x3FB8] =	sst s0;
	s0 =	simm.s32 @!p1 $0x0  }
0x14: {  	s2 =	sld [smem:$0x3F9C];
	s0 =	simm.s32 @p1 $0x1  }
0x15: {  	[smem:$0x3FB9] =	sst s0;
	s0 =	simm.s32 @!p2 $0x0  }
0x16: {  	s3 =	sld [smem:$0x3FDB];
	s0 =	simm.s32 @p2 $0x1  }
0x17: {  	s4 =	simm.s32 $0x1BF5;
	[smem:$0x3FBB] =	sst s0  }
0x18: {  	s0 =	sld [smem:$0x3F9E];
	_ =	swait.ge [sflag:s4], $0x0  }
0x19: {  	s7 =	sld [smem:$0x3F9F]  }
0x1a: {  	s8 =	sadd.s32 $0xFFFFE003, lr  }
0x1b: {  	s9 =	sadd.s32 $0xFFFFFEF7, lr;
	s5 =	simm.s32 $0xFFFFFFFF;
	p2 =	slt.u32 s8, $0xFFFFF086  }
0x1c: {  	p1 =	slt.u32 s9, $0xF7A;
	s5 =	simm.s32 @!p2 $0x0  }
0x1d: {  	s5 =	simm.s32 @p1 $0x1;
	p0 =	seq.s32 s7, s2  }
0x1e: {  	s7 =	smul.u32 @!p0 $0xF7A, s2;
	p2 =	seq.s32 @!p0 s5, $0x0  }
0x1f: {  	s9 =	smul.u32 $0xF7A, s1;
	s8 =	simm.s32 @!p0 $0x1BF5;
	p2 =	por !p2, p0  }
0x20: {  	[sflag:s8] =	ssyncset.s32 @!p0 $0xFFFFF086;
	s6 =	sadd.s32 @!p0 s3, s7;
	s7 =	simm.s32 @!p0 $0x108  }
0x21: {  	s3 =	sadd.s32 s3, s9;
	s6 =	sadd.s32 @!p0 $0x88, s6;
	s7 =	simm.s32 @p2 $0x1082  }
0x22: {  	[simem:s7], [sflag:s8] =	dma.local @!p0 [hbm:s6], $0xF7A  }
0x23: {  	s9 =	sor.u32 $0xD0000000, s2;
	s6 =	simm.s32 $0x108;
	_ =	swait.ge @!p0 [sflag:s8], $0x0  }
0x24: {  	s3 =	sadd.s32 $0x88, s3;
	s6 =	simm.s32 @!p1 $0x1082;
	[sflag:s4] =	ssyncset.s32 $0xFFFFF086  }
0x25: {  	[simem:s6], [sflag:s4] =	dma.local [hbm:s3], $0xF7A  }
0x26: {  	[smem:$0x3F9F] =	sst s1;
	(tag) =	ssettag s2;
	_ =	strace s9  }
0x27: {  	s1 =	sld [smem:$0x3FAF]  }
0x28: {  	s2 =	sld [smem:$0x3FB0]  }
0x29: {  	s4 =	sld [smem:$0x3FB2]  }
0x2a: {  	p0 =	seq.s32 s5, $0x0;
	s5 =	sld [smem:$0x3FB3]  }
0x2b: {  	s6 =	sld [smem:$0x3FB4]  }
0x2c: {  	s7 =	sld [smem:$0x3FB5]  }
0x2d: {  	s3 =	simm.s32 $0x108;
	s8 =	sld [smem:$0x3FB6]  }
0x2e: {  	s3 =	simm.s32 @!p0 $0x1082;
	s9 =	sld [smem:$0x3FB7]  }
0x2f: {  	lr =	sadd.s32 s0, s3;
	s0 =	sld [smem:$0x3FAE]  }
0x30: {  	s3 =	sld [smem:$0x3FB1]  }
0x31: {  	[smem:$0x3FBA] =	sst s10  }
0x32: {  	s10 =	sld [smem:$0x3FB8];
	_ =	sdelay $0x3  }
0x33: {  	p0 =	seq.s32 s10, $0x1;
	s10 =	sld [smem:$0x3FBA];
	_ =	sdelay $0x3  }
0x34: {  	[smem:$0x3FBA] =	sst s10  }
0x35: {  	s10 =	sld [smem:$0x3FB9];
	_ =	sdelay $0x3  }
0x36: {  	p1 =	seq.s32 s10, $0x1;
	s10 =	sld [smem:$0x3FBA];
	_ =	sdelay $0x3  }
0x37: {  	[smem:$0x3FBA] =	sst s10  }
0x38: {  	s10 =	sld [smem:$0x3FBB]  }
0x39: {  	_ = 	snop;
	(pc) =	sbr.ind lr, $3  }
0x3a: {  	_ = 	snop  }
0x3b: {  	_ = 	snop  }
0x3c: {  	p2 =	seq.s32 s10, $0x1;
	s10 =	sld [smem:$0x3FBA]  }
0x3d: {  	_ =	shalt  }
0x3e: {  	_ =	shalt  }
0x3f: {  	_ =	shalt  }
0x40: {  	_ =	shalt  }
0x41: {  	_ =	shalt  }
0x42: {  	_ =	shalt  }
0x43: {  	_ =	shalt  }
0x44: {  	_ =	shalt  }
0x45: {  	_ =	shalt  }
0x46: {  	_ =	shalt  }
0x47: {  	_ =	shalt  }
0x48: {  	_ =	shalt  }
0x49: {  	_ =	shalt  }
0x4a: {  	_ =	shalt  }
0x4b: {  	_ =	shalt  }
0x4c: {  	_ =	shalt  }
0x4d: {  	_ =	shalt  }
0x4e: {  	_ =	shalt  }
0x4f: {  	_ =	shalt  }
0x50: {  	_ =	shalt  }
0x51: {  	_ =	shalt  }
0x52: {  	_ =	shalt  }
0x53: {  	_ =	shalt  }
0x54: {  	_ =	shalt  }
0x55: {  	_ =	shalt  }
0x56: {  	_ =	shalt  }
0x57: {  	_ =	shalt  }
0x58: {  	_ =	shalt  }
0x59: {  	_ =	shalt  }
0x5a: {  	_ =	shalt  }
0x5b: {  	_ =	shalt  }
0x5c: {  	_ =	shalt  }
0x5d: {  	_ =	shalt  }
0x5e: {  	_ =	shalt  }
0x5f: {  	_ =	shalt  }
0x60: {  	_ =	shalt  }
0x61: {  	_ =	shalt  }
0x62: {  	_ =	shalt  }
0x63: {  	_ =	shalt  }
0x64: {  	_ =	shalt  }
0x65: {  	_ =	shalt  }
0x66: {  	_ =	shalt  }
0x67: {  	_ =	shalt  }
0x68: {  	_ =	shalt  }
0x69: {  	_ =	shalt  }
0x6a: {  	_ =	shalt  }
0x6b: {  	_ =	shalt  }
0x6c: {  	_ =	shalt  }
0x6d: {  	_ =	shalt  }
0x6e: {  	_ =	shalt  }
0x6f: {  	_ =	shalt  }
0x70: {  	_ =	shalt  }
0x71: {  	_ =	shalt  }
0x72: {  	_ =	shalt  }
0x73: {  	_ =	shalt  }
0x74: {  	_ =	shalt  }
0x75: {  	_ =	shalt  }
0x76: {  	_ =	shalt  }
0x77: {  	_ =	shalt  }
0x78: {  	_ =	shalt  }
0x79: {  	_ =	shalt  }
0x7a: {  	_ =	shalt  }
0x7b: {  	_ =	shalt  }
0x7c: {  	_ =	shalt  }
0x7d: {  	_ =	shalt  }
0x7e: {  	_ =	shalt  }
0x7f: {  	_ =	shalt  }
0x80: {  	_ =	shalt  }
0x81: {  	_ =	shalt  }
0x82: {  	_ =	shalt  }
0x83: {  	_ =	shalt  }
0x84: {  	_ =	shalt  }
0x85: {  	_ =	shalt  }
0x86: {  	_ =	shalt  }
0x87: {  	_ =	shalt  }
.Lfunc_end0:
.L_simem_size_0:
called_computation_lowered:
.L_overlay_start_0:
0x88: {  	s2 =	sld [smem:$0x3FD9]  }
0x89: {  	s3 =	sld [smem:$0x3FFE];
	_ =	sdelay $0x1  }
0x8a: {  	s1 =	srdreg.scid  }
0x8b: {  	s0 =	sand.u32 $0x1, s1  }
0x8c: {  	s17 =	sshll.u32 s0, $0xA;
	s2 =	sadd.s32 s3, s2  }
0x8d: {  	s2 =	sadd.s32 s2, s17  }
0x8e: {  	[smem:$0x3FC6] =	sst s2  }
0x8f: {  	_ = 	snop  }
0x90: {  	s2 =	sld [smem:$0x3FC8]  }
0x91: {  	s18 =	sld [smem:$0x3FD0];
	(tm) =	ssettm $0x1  }
0x92: {  	s4 =	sld [smem:$0x3FFB];
	_ =	sdelay $0x3  }
0x93: {  	_ =	strace s4  }
0x94: {  	s4 =	sld [smem:$0x3FFC];
	_ =	sdelay $0x3  }
0x95: {  	_ =	strace s4  }
0x96: {  	s4 =	sld [smem:$0x3FFD];
	_ =	sdelay $0x3  }
0x97: {  	_ =	strace s4  }
0x98: {  	_ =	strace $0x8FFFFFFF  }
0x99: {  	s19 =	sld [smem:$0x3FDB];
	_ =	sdelay $0x1  }
0x9a: {  	s5 =	simm.s32 $_scs_section_size  }
0x9b: {  	s6 =	simm.s32 $_size__tile_overlayer_lowered;
	s7 =	simm.s32 $_tile_overlayer_lowered  }
0x9c: {  	s22 =	simm.s32 $0x1BFF;
	s21 =	sshll.u32 s7, $0x1;
	s4 =	sadd.s32 s5, s19  }
0x9d: {  	s8 =	simm.s32 $0x0;
	s20 =	sshll.u32 s6, $0x1;
	s6 =	sadd.s32 s21, s4  }
0x9e: {  	[timem:s8], [sflag:s22] =	dma.local [hbm:s6], s20  }
0x9f: {  	_ =	swait.ge [sflag:s22], s20  }
0xa0: {  	s5 =	ssub.s32 $0x0, s20;
	[sflag:s22] =	ssyncset.done $0x0  }
0xa1: {  	[sflag:s22] =	ssyncadd.s32 s5;
	_ =	sdelay $0x1  }
0xa2: {  	s23 =	simm.s32 $0x1B8B  }
0xa3: {  	_ =	swait.ge [sflag:s23], $0x1  }
0xa4: {  	[sflag:s23] =	ssyncset.done $0x0  }
0xa5: {  	s25 =	simm.s32 $0x1B8E;
	s24 =	sld [smem:$0x3FFE];
	[sflag:s23] =	ssyncadd.s32 $0xFFFFFFFF  }
0xa6: {  	s26 =	simm.s32 $execute0_lowered;
	[smem:$0x3FD2] =	sst s25  }
0xa7: {  	s6 =	sshll.u32 s26, $0x1;
	_ =	strace $0x80000046;
	[dreg:$0x1] =	wrdreg $0xFFFFFFFF  }
0xa8: {  	s28 =	simm.s32 $_size_execute0_lowered;
	s4 =	sadd.s32 s4, s6;
	[dreg:$0x0] =	wrdreg $0x0  }
0xa9: {  	s6 =	sshll.u32 s28, $0x1;
	[dreg:$0x2] =	wrdreg s4  }
0xaa: {  	[dreg:$0x3] =	wrdreg s6  }
0xab: {  	[dreg:$0x4] =	wrdreg $0xC0  }
0xac: {  	_ =	task [dreg:s8], $0x5FFFF  }
0xad: {  	[dreg:$0x1] =	wrdreg $0xFFFFFFFF  }
0xae: {  	[dreg:$0x0] =	wrdreg $0x60  }
0xaf: {  	[dreg:$0x2] =	wrdreg s24  }
0xb0: {  	[dreg:$0x3] =	wrdreg s2  }
0xb1: {  	[dreg:$0x4] =	wrdreg s18  }
0xb2: {  	[dreg:$0x5] =	wrdreg $0x9  }
0xb3: {  	_ =	task.clear_ibuf [dreg:s8], $0x6FFFF;
	_ =	strace $0x90000046  }
0xb4: {  	s29 =	simm.s32 $0x9;
	_ =	strace $0x80000048  }
0xb5: {  	_ =	swait.ge [sflag:s29], $0x1  }
0xb6: {  	[sflag:s29] =	ssyncadd.s32 $0xFFFFFFFF  }
0xb7: {  	_ =	strace $0x90000048  }
0xb8: {  	_ =	sfence  }
0xb9: {  	s30 =	sld [smem:$0x0];
	_ =	sdelay $0x2  }
0xba: {  	s31 =	sshll.u32 s1, $0xD;
	s1 =	sshrl.u32 s1, $0x2  }
0xbb: {  	s3 =	sand.u32 $0x4000, s31;
	s1 =	sadd.s32 s1, s30  }
0xbc: {  	s0 =	sor.u32 s3, s0;
	s1 =	sshll.u32 s1, $0x11  }
0xbd: {  	s0 =	sor.u32 s1, s0  }
0xbe: {  	s0 =	sadd.s32 $0x8F2B, s0  }
0xbf: {  	[sflag:s0] =	ssyncadd.remote.s32 $0x1  }
0xc0: {  	_ =	sfence.sel $0xFFFF  }
0xc1: {  	[dreg:$0x0] =	wrdreg $0xFFFFFFFF;
	(pc) =	sbr.abs _section_cstart, $3  }
0xc2: {  	[dreg:$0x1] =	wrdreg $0xFFFFFFFF  }
0xc3: {  	_ =	task.clear_ibuf [dreg:s8], $0x2FFFF;
	_ =	strace $0x9FFFFFFF  }
0xc4: {  	(tm) =	ssettm $0x7FFFFFFF  }
0xc5: {  	_ =	shalt  }
tec
execute0_lowered:
.L_overlay_start_1:
0x0: {  	(tag) =	ssettag $0x1  }
0x1: {  	s0 =	rddreg [dreg:$0x0]  }
0x2: {  	s2 =	rddreg [dreg:$0x1]  }
0x3: {  	s1 =	rddreg [dreg:$0x2]  }
0x4: {  	s3 =	srdreg.scid;
	s10 =	stileid.u32;
	s31 =	simm.s32 $0x1000  }
0x5: {  	s28 =	simm.s32 $0x3000;
	s30 =	simm.s32 $0x3800;
	s29 =	simm.s32 $0x4000  }
0x6: {  	s11 =	simm.s32 $0x7000;
	s13 =	simm.s32 $0x7800;
	s14 =	simm.s32 $0x8000  }
0x7: {  	s15 =	simm.s32 $0x8800;
	s16 =	simm.s32 $0x9800;
	s17 =	simm.s32 $0xA000  }
0x8: {  	s18 =	simm.s32 $0xA800;
	s12 =	simm.s32 $0xB000;
	s19 =	simm.s32 $0x1  }
0x9: {  	s20 =	simm.s32 $0x3;
	s21 =	simm.s32 $0x2;
	s22 =	simm.s32 $0x4  }
0xa: {  	s4 =	sand.u32 $0x1, s3;
	s5 =	sshll.u32 s10, $0x1;
	s3 =	simm.s32 $0x0  }
0xb: {  	s23 =	sshll.u32 s10, $0x12;
	s10 =	simm.s32 $0x6000;
	s5 =	sor.u32 s4, s5  }
0xc: {  	s6 =	ssub.s32 $0x2, s4;
	[smem:$0x7FF] =	sst s3;
	s24 =	sshll.u32 s4, $0x11  }
0xd: {  	s4 =	simm.s32 $0x5000;
	s7 =	sshll.u32 s5, $0x9;
	s8 =	sshrl.u32 s6, $0x1  }
0xe: {  	_ =	strace $0x80000047;
	s9 =	sshll.u32 s5, $0x11;
	s5 =	sadd.s32 $0x100, s2  }
0xf: {  	s0 =	sadd.s32 s7, s0;
	s8 =	ssub.s32 s6, s8;
	s9 =	sadd.s32 s1, s9  }
0x10: {  	s6 =	sadd.s32 $0x200, s2;
	s0 =	sadd.s32 $0x400, s0;
	[dreg:$0x6] =	wrdreg s9  }
0x11: {  	s7 =	sadd.s32 $0x300, s2;
	s25 =	sadd.s32 $0x1F000, s9;
	[dreg:$0x5] =	wrdreg s0  }
0x12: {  	s26 =	smax.u32 s8, $0x1;
	s9 =	simm.s32 $0x5800;
	[dreg:$0x7] =	wrdreg s25  }
0x13: {  	s8 =	simm.s32 $0x6800;
	s0 =	sadd.s32 s23, s1;
	[dreg:$0x8] =	wrdreg s26  }
0x14: {  	v2 =	vlaneseq.u32;
	s25 =	simm.s32 $0x1800;
	s26 =	simm.s32 $0x2000;
	s23 =	simm.s32 $0x0  }
0x15: {  	vm0 =	vmmov $0xffff;
	v1 =	vshrl.u32 v2, $0x3;
	s1 =	simm.s32 $0x4800;
	s0 =	sadd.s32 s24, s0;
	[dreg:$0x9] =	wrdreg s23  }
0x16: {  	v0 =	vand.u32 $0x7, v2;
	v2 =	vor.u32 $0x8, v2;
	v1 =	vmul.u32 $0x8, v1;
	s24 =	simm.s32 $0x2800;
	[dreg:$0x4] =	wrdreg s0;
	s0 =	simm.s32 $0x9000  }
.LBB2_1:
0x17: {  	s23 =	rddreg [dreg:$0x5]  }
0x18: {  	[tilespmem:s3], [sflag:$0x5] =	stream.linear.gather [hbm4b:s23+s3], $0x1000, $0x38;
	[tilespmem:$0x11000] =	vst v63  }
0x19: {  	s23 =	simm.s32 $0x5  }
0x1a: {  	_ =	swait.ge [sflag:s23], $0x1000  }
0x1b: {  	[sflag:s23] =	ssyncset.done $0x0  }
0x1c: {  	[sflag:s23] =	ssyncadd.s32 $0xFFFFF000  }
0x1d: {  	v3 =	vld [tilespmem:$0x0];
	_ =	sdelay $0x4  }
0x1e: {  	v4 =	vshll.u32 v3, $0x3  }
0x1f: {  	v3 =	vand.u32 $0x7, v3;
	v4 =	vand.u32 $0xFFFFFFC0, v4  }
0x20: {  	v3 =	vor.u32 v3, v4  }
0x21: {  	v4 =	vperm.xlane v3, v0;
	_ =	sdelay $0x1  }
0x22: {  	v4 =	vadd.s32 v1, v4;
	_ =	sdelay $0x4  }
0x23: {  	[tilespmem:s31], [sflag:$0x1] =	stream.indirect_vreg.gather [hbm4b:s2+s3], $0x80, v4, vm0, $0xb8;
	[tilespmem:$0x11000] =	vst v63  }
0x24: {  	v3 =	vperm.xlane v3, v2  }
0x25: {  	[tilespmem:s25], [sflag:$0x1] =	stream.indirect_vreg.gather [hbm4b:s5+s3], $0x80, v4, vm0, $0xb8;
	[tilespmem:$0x11000] =	vst v63  }
0x26: {  	v3 =	vadd.s32 v1, v3  }
0x27: {  	[tilespmem:s26], [sflag:$0x1] =	stream.indirect_vreg.gather [hbm4b:s6+s3], $0x80, v4, vm0, $0xb8;
	[tilespmem:$0x11000] =	vst v63  }
0x28: {  	_ = 	snop  }
0x29: {  	[tilespmem:s24], [sflag:$0x1] =	stream.indirect_vreg.gather [hbm4b:s7+s3], $0x80, v4, vm0, $0xb8;
	[tilespmem:$0x11000] =	vst v63  }
0x2a: {  	_ = 	snop  }
0x2b: {  	[tilespmem:s28], [sflag:$0x1] =	stream.indirect_vreg.gather [hbm4b:s2+s3], $0x80, v3, vm0, $0xb8;
	[tilespmem:$0x11000] =	vst v63  }
0x2c: {  	_ = 	snop  }
0x2d: {  	[tilespmem:s30], [sflag:$0x1] =	stream.indirect_vreg.gather [hbm4b:s5+s3], $0x80, v3, vm0, $0xb8;
	[tilespmem:$0x11000] =	vst v63  }
0x2e: {  	_ = 	snop  }
0x2f: {  	[tilespmem:s29], [sflag:$0x1] =	stream.indirect_vreg.gather [hbm4b:s6+s3], $0x80, v3, vm0, $0xb8;
	[tilespmem:$0x11000] =	vst v63  }
0x30: {  	_ = 	snop  }
0x31: {  	[tilespmem:s1], [sflag:$0x1] =	stream.indirect_vreg.gather [hbm4b:s7+s3], $0x80, v3, vm0, $0xb8;
	[tilespmem:$0x11000] =	vst v63  }
0x32: {  	v3 =	vld [tilespmem:$0x10];
	_ =	sdelay $0x4  }
0x33: {  	v61 =	vshll.u32 v3, $0x3  }
0x34: {  	v3 =	vand.u32 $0x7, v3;
	v4 =	vand.u32 $0xFFFFFFC0, v61  }
0x35: {  	v3 =	vor.u32 v3, v4  }
0x36: {  	v4 =	vperm.xlane v3, v0;
	_ =	sdelay $0x1  }
0x37: {  	v4 =	vadd.s32 v1, v4;
	_ =	sdelay $0x4  }
0x38: {  	[tilespmem:s4], [sflag:$0x1] =	stream.indirect_vreg.gather [hbm4b:s2+s3], $0x80, v4, vm0, $0xb8;
	[tilespmem:$0x11000] =	vst v63  }
0x39: {  	v3 =	vperm.xlane v3, v2  }
0x3a: {  	[tilespmem:s9], [sflag:$0x1] =	stream.indirect_vreg.gather [hbm4b:s5+s3], $0x80, v4, vm0, $0xb8;
	[tilespmem:$0x11000] =	vst v63  }
0x3b: {  	v3 =	vadd.s32 v1, v3  }
0x3c: {  	[tilespmem:s10], [sflag:$0x1] =	stream.indirect_vreg.gather [hbm4b:s6+s3], $0x80, v4, vm0, $0xb8;
	[tilespmem:$0x11000] =	vst v63  }
0x3d: {  	_ = 	snop  }
0x3e: {  	[tilespmem:s8], [sflag:$0x1] =	stream.indirect_vreg.gather [hbm4b:s7+s3], $0x80, v4, vm0, $0xb8;
	[tilespmem:$0x11000] =	vst v63  }
0x3f: {  	_ = 	snop  }
0x40: {  	[tilespmem:s11], [sflag:$0x1] =	stream.indirect_vreg.gather [hbm4b:s2+s3], $0x80, v3, vm0, $0xb8;
	[tilespmem:$0x11000] =	vst v63  }
0x41: {  	_ = 	snop  }
0x42: {  	[tilespmem:s13], [sflag:$0x1] =	stream.indirect_vreg.gather [hbm4b:s5+s3], $0x80, v3, vm0, $0xb8;
	[tilespmem:$0x11000] =	vst v63  }
0x43: {  	_ = 	snop  }
0x44: {  	[tilespmem:s14], [sflag:$0x1] =	stream.indirect_vreg.gather [hbm4b:s6+s3], $0x80, v3, vm0, $0xb8;
	[tilespmem:$0x11000] =	vst v63  }
0x45: {  	_ = 	snop  }
0x46: {  	[tilespmem:s15], [sflag:$0x1] =	stream.indirect_vreg.gather [hbm4b:s7+s3], $0x80, v3, vm0, $0xb8;
	[tilespmem:$0x11000] =	vst v63  }
0x47: {  	v3 =	vld [tilespmem:$0x80];
	_ =	sdelay $0x4  }
0x48: {  	v62 =	vshll.u32 v3, $0x3  }
0x49: {  	v3 =	vand.u32 $0x7, v3;
	v4 =	vand.u32 $0xFFFFFFC0, v62  }
0x4a: {  	v3 =	vor.u32 v3, v4  }
0x4b: {  	v4 =	vperm.xlane v3, v0;
	_ =	sdelay $0x1  }
0x4c: {  	v4 =	vadd.s32 v1, v4;
	_ =	sdelay $0x4  }
0x4d: {  	[tilespmem:s0], [sflag:$0x2] =	stream.indirect_vreg.gather [hbm4b:s2+s3], $0x80, v4, vm0, $0xb8;
	[tilespmem:$0x11000] =	vst v63  }
0x4e: {  	v3 =	vperm.xlane v3, v2  }
0x4f: {  	[tilespmem:s16], [sflag:$0x2] =	stream.indirect_vreg.gather [hbm4b:s5+s3], $0x80, v4, vm0, $0xb8;
	[tilespmem:$0x11000] =	vst v63  }
0x50: {  	v3 =	vadd.s32 v1, v3  }
0x51: {  	[tilespmem:s17], [sflag:$0x2] =	stream.indirect_vreg.gather [hbm4b:s6+s3], $0x80, v4, vm0, $0xb8;
	[tilespmem:$0x11000] =	vst v63  }
0x52: {  	_ = 	snop  }
0x53: {  	[tilespmem:s18], [sflag:$0x2] =	stream.indirect_vreg.gather [hbm4b:s7+s3], $0x80, v4, vm0, $0xb8;
	[tilespmem:$0x11000] =	vst v63  }
0x54: {  	_ = 	snop  }
0x55: {  	[tilespmem:s12], [sflag:$0x2] =	stream.indirect_vreg.gather [hbm4b:s2+s3], $0x80, v3, vm0, $0xb8;
	[tilespmem:$0x11000] =	vst v63  }
0x56: {  	s10 =	simm.s32 $0xB800  }
0x57: {  	[tilespmem:s10], [sflag:$0x2] =	stream.indirect_vreg.gather [hbm4b:s5+s3], $0x80, v3, vm0, $0xb8;
	[tilespmem:$0x11000] =	vst v63  }
0x58: {  	s11 =	simm.s32 $0xC000  }
0x59: {  	[tilespmem:s11], [sflag:$0x2] =	stream.indirect_vreg.gather [hbm4b:s6+s3], $0x80, v3, vm0, $0xb8;
	[tilespmem:$0x11000] =	vst v63  }
0x5a: {  	s12 =	simm.s32 $0xC800  }
0x5b: {  	[tilespmem:s12], [sflag:$0x2] =	stream.indirect_vreg.gather [hbm4b:s7+s3], $0x80, v3, vm0, $0xb8;
	[tilespmem:$0x11000] =	vst v63  }
0x5c: {  	v3 =	vld [tilespmem:$0x90];
	_ =	sdelay $0x4  }
0x5d: {  	v63 =	vshll.u32 v3, $0x3  }
0x5e: {  	v3 =	vand.u32 $0x7, v3;
	v4 =	vand.u32 $0xFFFFFFC0, v63  }
0x5f: {  	v3 =	vor.u32 v3, v4  }
0x60: {  	v4 =	vperm.xlane v3, v0;
	_ =	sdelay $0x1  }
0x61: {  	v4 =	vadd.s32 v1, v4;
	_ =	sdelay $0x3  }
0x62: {  	s13 =	simm.s32 $0xD000  }
0x63: {  	[tilespmem:s13], [sflag:$0x2] =	stream.indirect_vreg.gather [hbm4b:s2+s3], $0x80, v4, vm0, $0xb8;
	[tilespmem:$0x11000] =	vst v63  }
0x64: {  	s14 =	simm.s32 $0xD800;
	v3 =	vperm.xlane v3, v2  }
0x65: {  	[tilespmem:s14], [sflag:$0x2] =	stream.indirect_vreg.gather [hbm4b:s5+s3], $0x80, v4, vm0, $0xb8;
	[tilespmem:$0x11000] =	vst v63  }
0x66: {  	s15 =	simm.s32 $0xE000;
	v3 =	vadd.s32 v1, v3  }
0x67: {  	[tilespmem:s15], [sflag:$0x2] =	stream.indirect_vreg.gather [hbm4b:s6+s3], $0x80, v4, vm0, $0xb8;
	[tilespmem:$0x11000] =	vst v63  }
0x68: {  	s23 =	simm.s32 $0x10000;
	s24 =	simm.s32 $0x10800;
	s16 =	simm.s32 $0xE800  }
0x69: {  	[tilespmem:s16], [sflag:$0x2] =	stream.indirect_vreg.gather [hbm4b:s7+s3], $0x80, v4, vm0, $0xb8;
	[tilespmem:$0x11000] =	vst v63  }
0x6a: {  	s28 =	simm.s32 $0x2800;
	s29 =	simm.s32 $0x1000;
	s17 =	simm.s32 $0xF000  }
0x6b: {  	[tilespmem:s17], [sflag:$0x2] =	stream.indirect_vreg.gather [hbm4b:s2+s3], $0x80, v3, vm0, $0xb8;
	[tilespmem:$0x11000] =	vst v63  }
0x6c: {  	s1 =	simm.s32 $0x4800;
	s4 =	simm.s32 $0x5000;
	s18 =	simm.s32 $0xF800  }
0x6d: {  	[tilespmem:s18], [sflag:$0x2] =	stream.indirect_vreg.gather [hbm4b:s5+s3], $0x80, v3, vm0, $0xb8;
	[tilespmem:$0x11000] =	vst v63  }
0x6e: {  	s9 =	simm.s32 $0x5800;
	s8 =	simm.s32 $0x6800;
	s10 =	simm.s32 $0x6000  }
0x6f: {  	[tilespmem:s23], [sflag:$0x2] =	stream.indirect_vreg.gather [hbm4b:s6+s3], $0x80, v3, vm0, $0xb8;
	[tilespmem:$0x11000] =	vst v63  }
0x70: {  	s11 =	simm.s32 $0x7000;
	s12 =	simm.s32 $0xB000;
	s13 =	simm.s32 $0x7800  }
0x71: {  	[tilespmem:s24], [sflag:$0x2] =	stream.indirect_vreg.gather [hbm4b:s7+s3], $0x80, v3, vm0, $0xb8;
	[tilespmem:$0x11000] =	vst v63  }
0x72: {  	s14 =	simm.s32 $0x8000;
	s15 =	simm.s32 $0x8800;
	_ =	swait.ge [sflag:s19], $0x8000  }
0x73: {  	s16 =	simm.s32 $0x9800;
	s17 =	simm.s32 $0xA000;
	[sflag:s19] =	ssyncset.done $0x0  }
0x74: {  	s18 =	simm.s32 $0xA800;
	s30 =	rddreg [dreg:$0x6];
	[sflag:s19] =	ssyncadd.s32 $0xFFFF8000  }
0x75: {  	[hbm4b:s30+s3] =	stream.linear.scatter [tilespmem:s31], [sflag:$0x3], $0x8000, $0x38;
	[tilespmem:$0x11000] =	vst v63  }
0x76: {  	s23 =	simm.s32 $0xFFFE2000;
	s24 =	simm.s32 $0x190;
	s31 =	simm.s32 $0x3800  }
.LBB2_2:
0x77: {  	_ =	swait.ge [sflag:s20], $0x8000  }
0x78: {  	[sflag:s20] =	ssyncset.done $0x0  }
0x79: {  	[sflag:s20] =	ssyncadd.s32 $0xFFFF8000  }
0x7a: {  	v3 =	vld [tilespmem:s24+$0xFFFFFF70];
	_ =	sdelay $0x4  }
0x7b: {  	v4 =	vshll.u32 v3, $0x3  }
0x7c: {  	v3 =	vand.u32 $0x7, v3;
	v4 =	vand.u32 $0xFFFFFFC0, v4  }
0x7d: {  	v3 =	vor.u32 v3, v4  }
0x7e: {  	v4 =	vperm.xlane v3, v0;
	_ =	sdelay $0x1  }
0x7f: {  	v4 =	vadd.s32 v1, v4;
	_ =	sdelay $0x4  }
0x80: {  	[tilespmem:s29], [sflag:$0x1] =	stream.indirect_vreg.gather [hbm4b:s2+s3], $0x80, v4, vm0, $0xb8;
	[tilespmem:$0x11000] =	vst v63  }
0x81: {  	v3 =	vperm.xlane v3, v2  }
0x82: {  	[tilespmem:s25], [sflag:$0x1] =	stream.indirect_vreg.gather [hbm4b:s5+s3], $0x80, v4, vm0, $0xb8;
	[tilespmem:$0x11000] =	vst v63  }
0x83: {  	v3 =	vadd.s32 v1, v3  }
0x84: {  	[tilespmem:s26], [sflag:$0x1] =	stream.indirect_vreg.gather [hbm4b:s6+s3], $0x80, v4, vm0, $0xb8;
	[tilespmem:$0x11000] =	vst v63  }
0x85: {  	_ = 	snop  }
0x86: {  	[tilespmem:s28], [sflag:$0x1] =	stream.indirect_vreg.gather [hbm4b:s7+s3], $0x80, v4, vm0, $0xb8;
	[tilespmem:$0x11000] =	vst v63  }
0x87: {  	s0 =	simm.s32 $0x3000  }
0x88: {  	[tilespmem:s0], [sflag:$0x1] =	stream.indirect_vreg.gather [hbm4b:s2+s3], $0x80, v3, vm0, $0xb8;
	[tilespmem:$0x11000] =	vst v63  }
0x89: {  	_ = 	snop  }
0x8a: {  	[tilespmem:s31], [sflag:$0x1] =	stream.indirect_vreg.gather [hbm4b:s5+s3], $0x80, v3, vm0, $0xb8;
	[tilespmem:$0x11000] =	vst v63  }
0x8b: {  	s26 =	simm.s32 $0x4000  }
0x8c: {  	[tilespmem:s26], [sflag:$0x1] =	stream.indirect_vreg.gather [hbm4b:s6+s3], $0x80, v3, vm0, $0xb8;
	[tilespmem:$0x11000] =	vst v63  }
0x8d: {  	_ = 	snop  }
0x8e: {  	[tilespmem:s1], [sflag:$0x1] =	stream.indirect_vreg.gather [hbm4b:s7+s3], $0x80, v3, vm0, $0xb8;
	[tilespmem:$0x11000] =	vst v63  }
0x8f: {  	v3 =	vld [tilespmem:s24+$0xFFFFFF80];
	_ =	sdelay $0x4  }
0x90: {  	v61 =	vshll.u32 v3, $0x3  }
0x91: {  	v3 =	vand.u32 $0x7, v3;
	v4 =	vand.u32 $0xFFFFFFC0, v61  }
0x92: {  	v3 =	vor.u32 v3, v4  }
0x93: {  	v4 =	vperm.xlane v3, v0;
	_ =	sdelay $0x1  }
0x94: {  	v4 =	vadd.s32 v1, v4;
	_ =	sdelay $0x4  }
0x95: {  	[tilespmem:s4], [sflag:$0x1] =	stream.indirect_vreg.gather [hbm4b:s2+s3], $0x80, v4, vm0, $0xb8;
	[tilespmem:$0x11000] =	vst v63  }
0x96: {  	v3 =	vperm.xlane v3, v2  }
0x97: {  	[tilespmem:s9], [sflag:$0x1] =	stream.indirect_vreg.gather [hbm4b:s5+s3], $0x80, v4, vm0, $0xb8;
	[tilespmem:$0x11000] =	vst v63  }
0x98: {  	v3 =	vadd.s32 v1, v3  }
0x99: {  	[tilespmem:s10], [sflag:$0x1] =	stream.indirect_vreg.gather [hbm4b:s6+s3], $0x80, v4, vm0, $0xb8;
	[tilespmem:$0x11000] =	vst v63  }
0x9a: {  	_ = 	snop  }
0x9b: {  	[tilespmem:s8], [sflag:$0x1] =	stream.indirect_vreg.gather [hbm4b:s7+s3], $0x80, v4, vm0, $0xb8;
	[tilespmem:$0x11000] =	vst v63  }
0x9c: {  	_ = 	snop  }
0x9d: {  	[tilespmem:s11], [sflag:$0x1] =	stream.indirect_vreg.gather [hbm4b:s2+s3], $0x80, v3, vm0, $0xb8;
	[tilespmem:$0x11000] =	vst v63  }
0x9e: {  	_ = 	snop  }
0x9f: {  	[tilespmem:s13], [sflag:$0x1] =	stream.indirect_vreg.gather [hbm4b:s5+s3], $0x80, v3, vm0, $0xb8;
	[tilespmem:$0x11000] =	vst v63  }
0xa0: {  	_ = 	snop  }
0xa1: {  	[tilespmem:s14], [sflag:$0x1] =	stream.indirect_vreg.gather [hbm4b:s6+s3], $0x80, v3, vm0, $0xb8;
	[tilespmem:$0x11000] =	vst v63  }
0xa2: {  	_ = 	snop  }
0xa3: {  	[tilespmem:s15], [sflag:$0x1] =	stream.indirect_vreg.gather [hbm4b:s7+s3], $0x80, v3, vm0, $0xb8;
	[tilespmem:$0x11000] =	vst v63  }
0xa4: {  	_ =	swait.ge [sflag:s21], $0x8000  }
0xa5: {  	s30 =	rddreg [dreg:$0x4]  }
0xa6: {  	[sflag:s21] =	ssyncset.done $0x0;
	s25 =	sadd.s32 s23, s30  }
0xa7: {  	[sflag:s21] =	ssyncadd.s32 $0xFFFF8000;
	s30 =	simm.s32 $0x9000;
	s0 =	sadd.s32 $0x1F000, s25  }
0xa8: {  	[hbm4b:s0+s3] =	stream.linear.scatter [tilespmem:s30], [sflag:$0x4], $0x8000, $0x38;
	[tilespmem:$0x11000] =	vst v63  }
0xa9: {  	_ =	swait.ge [sflag:s22], $0x8000  }
0xaa: {  	[sflag:s22] =	ssyncset.done $0x0  }
0xab: {  	[sflag:s22] =	ssyncadd.s32 $0xFFFF8000  }
0xac: {  	v3 =	vld [tilespmem:s24+$0xFFFFFFF0];
	_ =	sdelay $0x4  }
0xad: {  	v62 =	vshll.u32 v3, $0x3  }
0xae: {  	v3 =	vand.u32 $0x7, v3;
	v4 =	vand.u32 $0xFFFFFFC0, v62  }
0xaf: {  	v3 =	vor.u32 v3, v4  }
0xb0: {  	v4 =	vperm.xlane v3, v0;
	_ =	sdelay $0x1  }
0xb1: {  	v4 =	vadd.s32 v1, v4;
	_ =	sdelay $0x4  }
0xb2: {  	[tilespmem:s30], [sflag:$0x2] =	stream.indirect_vreg.gather [hbm4b:s2+s3], $0x80, v4, vm0, $0xb8;
	[tilespmem:$0x11000] =	vst v63  }
0xb3: {  	v3 =	vperm.xlane v3, v2  }
0xb4: {  	[tilespmem:s16], [sflag:$0x2] =	stream.indirect_vreg.gather [hbm4b:s5+s3], $0x80, v4, vm0, $0xb8;
	[tilespmem:$0x11000] =	vst v63  }
0xb5: {  	v3 =	vadd.s32 v1, v3  }
0xb6: {  	[tilespmem:s17], [sflag:$0x2] =	stream.indirect_vreg.gather [hbm4b:s6+s3], $0x80, v4, vm0, $0xb8;
	[tilespmem:$0x11000] =	vst v63  }
0xb7: {  	_ = 	snop  }
0xb8: {  	[tilespmem:s18], [sflag:$0x2] =	stream.indirect_vreg.gather [hbm4b:s7+s3], $0x80, v4, vm0, $0xb8;
	[tilespmem:$0x11000] =	vst v63  }
0xb9: {  	_ = 	snop  }
0xba: {  	[tilespmem:s12], [sflag:$0x2] =	stream.indirect_vreg.gather [hbm4b:s2+s3], $0x80, v3, vm0, $0xb8;
	[tilespmem:$0x11000] =	vst v63  }
0xbb: {  	s30 =	simm.s32 $0xB800  }
0xbc: {  	[tilespmem:s30], [sflag:$0x2] =	stream.indirect_vreg.gather [hbm4b:s5+s3], $0x80, v3, vm0, $0xb8;
	[tilespmem:$0x11000] =	vst v63  }
0xbd: {  	s30 =	simm.s32 $0xC000  }
0xbe: {  	[tilespmem:s30], [sflag:$0x2] =	stream.indirect_vreg.gather [hbm4b:s6+s3], $0x80, v3, vm0, $0xb8;
	[tilespmem:$0x11000] =	vst v63  }
0xbf: {  	s30 =	simm.s32 $0xC800  }
0xc0: {  	[tilespmem:s30], [sflag:$0x2] =	stream.indirect_vreg.gather [hbm4b:s7+s3], $0x80, v3, vm0, $0xb8;
	[tilespmem:$0x11000] =	vst v63  }
0xc1: {  	v3 =	vld [tilespmem:s24+$0x0];
	_ =	sdelay $0x4  }
0xc2: {  	v63 =	vshll.u32 v3, $0x3  }
0xc3: {  	v3 =	vand.u32 $0x7, v3;
	v4 =	vand.u32 $0xFFFFFFC0, v63  }
0xc4: {  	v3 =	vor.u32 v3, v4  }
0xc5: {  	v4 =	vperm.xlane v3, v0;
	_ =	sdelay $0x1  }
0xc6: {  	v4 =	vadd.s32 v1, v4;
	_ =	sdelay $0x3  }
0xc7: {  	s30 =	simm.s32 $0xD000  }
0xc8: {  	[tilespmem:s30], [sflag:$0x2] =	stream.indirect_vreg.gather [hbm4b:s2+s3], $0x80, v4, vm0, $0xb8;
	[tilespmem:$0x11000] =	vst v63  }
0xc9: {  	v3 =	vperm.xlane v3, v2;
	s30 =	simm.s32 $0xD800  }
0xca: {  	[tilespmem:s30], [sflag:$0x2] =	stream.indirect_vreg.gather [hbm4b:s5+s3], $0x80, v4, vm0, $0xb8;
	[tilespmem:$0x11000] =	vst v63  }
0xcb: {  	v3 =	vadd.s32 v1, v3;
	s30 =	simm.s32 $0xE000  }
0xcc: {  	[tilespmem:s30], [sflag:$0x2] =	stream.indirect_vreg.gather [hbm4b:s6+s3], $0x80, v4, vm0, $0xb8;
	[tilespmem:$0x11000] =	vst v63  }
0xcd: {  	s30 =	simm.s32 $0xE800  }
0xce: {  	[tilespmem:s30], [sflag:$0x2] =	stream.indirect_vreg.gather [hbm4b:s7+s3], $0x80, v4, vm0, $0xb8;
	[tilespmem:$0x11000] =	vst v63  }
0xcf: {  	s30 =	simm.s32 $0xF000  }
0xd0: {  	[tilespmem:s30], [sflag:$0x2] =	stream.indirect_vreg.gather [hbm4b:s2+s3], $0x80, v3, vm0, $0xb8;
	[tilespmem:$0x11000] =	vst v63  }
0xd1: {  	s30 =	simm.s32 $0xF800  }
0xd2: {  	[tilespmem:s30], [sflag:$0x2] =	stream.indirect_vreg.gather [hbm4b:s5+s3], $0x80, v3, vm0, $0xb8;
	[tilespmem:$0x11000] =	vst v63  }
0xd3: {  	s30 =	simm.s32 $0x10000  }
0xd4: {  	[tilespmem:s30], [sflag:$0x2] =	stream.indirect_vreg.gather [hbm4b:s6+s3], $0x80, v3, vm0, $0xb8;
	[tilespmem:$0x11000] =	vst v63  }
0xd5: {  	p0 =	sne.s32 s23, $0xFFFFE000;
	s30 =	simm.s32 $0x10800  }
0xd6: {  	[tilespmem:s30], [sflag:$0x2] =	stream.indirect_vreg.gather [hbm4b:s7+s3], $0x80, v3, vm0, $0xb8;
	[tilespmem:$0x11000] =	vst v63  }
.Ltmp0:
0xd7: {  	_ =	swait.ge [sflag:s19], $0x8000;
	(pc) =	sbr.rel @p0 .LBB2_2-.Ltmp0, $4  }
0xd8: {  	s26 =	simm.s32 $0x2000;
	[sflag:s19] =	ssyncset.done $0x0  }
0xd9: {  	s23 =	sadd.s32 $0x2000, s23;
	s25 =	sadd.s32 $0x20000, s25;
	[sflag:s19] =	ssyncadd.s32 $0xFFFF8000  }
0xda: {  	[hbm4b:s25+s3] =	stream.linear.scatter [tilespmem:s29], [sflag:$0x3], $0x8000, $0x38;
	[tilespmem:$0x11000] =	vst v63  }
0xdb: {  	s0 =	simm.s32 $0x9000;
	s24 =	sadd.s32 $0x100, s24;
	s25 =	simm.s32 $0x1800  }
0xdc: {  	_ =	swait.ge [sflag:s21], $0x8000  }
0xdd: {  	[sflag:s21] =	ssyncset.done $0x0  }
0xde: {  	s23 =	rddreg [dreg:$0x7];
	[sflag:s21] =	ssyncadd.s32 $0xFFFF8000  }
0xdf: {  	[hbm4b:s23+s3] =	stream.linear.scatter [tilespmem:s0], [sflag:$0x4], $0x8000, $0x38;
	[tilespmem:$0x11000] =	vst v63  }
0xe0: {  	_ =	swait.ge [sflag:s20], $0x8000  }
0xe1: {  	[sflag:s20] =	ssyncset.done $0x0  }
0xe2: {  	[sflag:s20] =	ssyncadd.s32 $0xFFFF8000  }
0xe3: {  	s28 =	simm.s32 $0x3000;
	s30 =	simm.s32 $0x3800;
	_ =	swait.ge [sflag:s22], $0x8000  }
0xe4: {  	s29 =	simm.s32 $0x4000;
	s4 =	simm.s32 $0x5000;
	s1 =	rddreg [dreg:$0x9]  }
0xe5: {  	s9 =	simm.s32 $0x5800;
	s24 =	rddreg [dreg:$0x8];
	s1 =	sadd.s32 $0x1, s1  }
0xe6: {  	s10 =	simm.s32 $0x6000;
	s8 =	simm.s32 $0x6800;
	p0 =	sne.s32 s1, s24  }
.Ltmp1:
0xe7: {  	s11 =	simm.s32 $0x7000;
	s13 =	simm.s32 $0x7800;
	(pc) =	sbr.rel @p0 .LBB2_1-.Ltmp1, $4  }
0xe8: {  	s14 =	simm.s32 $0x8000;
	s15 =	simm.s32 $0x8800;
	s16 =	simm.s32 $0x9800  }
0xe9: {  	s17 =	simm.s32 $0xA000;
	s18 =	simm.s32 $0xA800;
	[sflag:s22] =	ssyncset.done $0x0  }
0xea: {  	s12 =	simm.s32 $0xB000;
	s31 =	simm.s32 $0x1000;
	[sflag:s22] =	ssyncadd.s32 $0xFFFF8000  }
0xeb: {  	[dreg:$0x9] =	wrdreg s1;
	s24 =	simm.s32 $0x2800;
	s1 =	simm.s32 $0x4800  }
0xec: {  	_ =	sfence.sel $0x180000  }
0xed: {  	[bflag:$0x0] =	sbarrier.arrive $0xFFFF  }
0xee: {  	_ =	strace $0x90000047  }
0xef: {  	s0 =	stileid.u32;
	[bflag:$0x2] =	sbarrier.arrive $0xFFFF  }
0xf0: {  	p0 =	sne.s32 s0, $0x0;
	s0 =	rddreg [dreg:$0x3]  }
0xf1: {  	s0 =	sadd.s32 @!p0 $0x100000, s0  }
0xf2: {  	[sflag:s0] =	ssyncadd.tile.s32 @!p0 $0x1;
	_ =	shalt  }
.Lfunc_end2:
_tile_overlayer_lowered:
.L_overlay_start_2:
0xf3: {  	(tag) =	ssettag $0x2  }
0xf4: {  	s0 =	rddreg [dreg:$0x0];
	s2 =	stileid.u32  }
0xf5: {  	s1 =	rddreg [dreg:$0x1];
	p0 =	sne.s32 s2, $0x0  }
0xf6: {  	s3 =	rddreg [dreg:$0x2];
	[bflag:$0x3] =	sbarrier.arrive $0xFFFF;
	s2 =	simm.s32 @!p0 $0x1C05  }
0xf7: {  	[timem:s3], [sflag:s2] =	dma.local @!p0 [hbm:s0], s1  }
0xf8: {  	s0 =	simm.s32 @!p0 $0x5  }
0xf9: {  	_ =	swait.ge @!p0 [sflag:s0], s1  }
0xfa: {  	s1 =	ssub.s32 @!p0 $0x0, s1;
	[sflag:s0] =	ssyncset.done @!p0 $0x0  }
0xfb: {  	[sflag:s0] =	ssyncadd.s32 @!p0 s1  }
0xfc: {  	[bflag:$0x3] =	sbarrier.arrive $0xFFFF  }
0xfd: {  	_ =	shalt  }

</sc_bundles>
